<compile_context>
chip_gen: v7x
topology: tpu7x:2x2x1
jax: 0.10.2.dev20260603
libtpu: 0.0.44.dev20260713+nightly
codegen_flags: <defaults>
</compile_context>

<pallas_src>
import jax
import jax.numpy as jnp
from jax import lax
from jax.experimental import pallas as pl
from jax.experimental.pallas import tpu as pltpu
from jax.experimental.pallas import tpu_sc as plsc

_B, _L, _D = 4, 8192, 1024
_NC, _NS = 2, 16
_NW = _NC * _NS
_ROWS_W = _L // _NW
_CH = 16
_NCHUNK = _ROWS_W // _CH


def _sc_body(in_hbm, pos_hbm, out_hbm, a0, a1, a2, a3, p_v):
    wid = lax.axis_index("s") * _NC + lax.axis_index("c")
    l0w = wid * _ROWS_W

    def chunk(c, carry):
        row0 = l0w + c * _CH
        pltpu.sync_copy(pos_hbm.at[pl.ds(row0, _CH)], p_v)
        pltpu.sync_copy(in_hbm.at[0, pl.ds(row0, _CH)], a0)
        pltpu.sync_copy(in_hbm.at[1, pl.ds(row0, _CH)], a1)
        pltpu.sync_copy(in_hbm.at[2, pl.ds(row0, _CH)], a2)
        pltpu.sync_copy(in_hbm.at[3, pl.ds(row0, _CH)], a3)

        def row(i, carry2):
            @plsc.parallel_loop(0, _D, 16, unroll=8)
            def _vec(j):
                pv = p_v[i, pl.ds(j, 16)]
                plsc.addupdate(a0.at[i, pl.ds(j, 16)], pv)
                plsc.addupdate(a1.at[i, pl.ds(j, 16)], pv)
                plsc.addupdate(a2.at[i, pl.ds(j, 16)], pv)
                plsc.addupdate(a3.at[i, pl.ds(j, 16)], pv)

            return carry2

        lax.fori_loop(0, _CH, row, 0)

        pltpu.sync_copy(a0, out_hbm.at[0, pl.ds(row0, _CH)])
        pltpu.sync_copy(a1, out_hbm.at[1, pl.ds(row0, _CH)])
        pltpu.sync_copy(a2, out_hbm.at[2, pl.ds(row0, _CH)])
        pltpu.sync_copy(a3, out_hbm.at[3, pl.ds(row0, _CH)])
        return carry

    lax.fori_loop(0, _NCHUNK, chunk, 0)


def kernel(inputs, pos_table):
    B, L, D = inputs.shape
    mesh = plsc.VectorSubcoreMesh(core_axis_name="c", subcore_axis_name="s")
    buf = lambda: pltpu.VMEM((_CH, _D), jnp.float32)
    return pl.kernel(
        _sc_body,
        out_type=jax.ShapeDtypeStruct((B, L, D), jnp.float32),
        mesh=mesh,
        scratch_types=[buf(), buf(), buf(), buf(), buf()],
        compiler_params=pltpu.CompilerParams(use_tc_tiling_on_sc=True),
    )(inputs, pos_table)

# --- scband reference (transcript-rebuilt; emitter-appended) ---
"""Pipeline reference for scband-positional-embedding-9345848836374 (READ-ONLY COPY).

The authoritative reference and input builder live on the scoring server;
editing this copy changes nothing except your own understanding.
"""

import jax, jax.numpy as jnp
import numpy as np

EMBED_DIM = 1024
SEQ_LEN = 8192
BATCH = 4

def setup_inputs(seed: int = 0) -> dict:
    key = jax.random.key(seed)
    k1, k2 = jax.random.split(key)
    inputs = jax.random.normal(k1, (BATCH, SEQ_LEN, EMBED_DIM), dtype=jnp.float32)
    # learned positional embedding table: nn.Embedding(sequence_length, embed_dim)
    pos_table = jax.random.normal(k2, (SEQ_LEN, EMBED_DIM), dtype=jnp.float32)
    return {"inputs": inputs, "pos_table": pos_table}

def reference(inputs, pos_table):
    L = inputs.shape[1]
    positions = jnp.arange(L)
    pos_emb = jnp.take(pos_table, positions, axis=0)  # embedding lookup: [L, D]
    return inputs + pos_emb[None, :, :]

if __name__ == "__main__":
    import jax
    _d = setup_inputs()
    print(jax.jit(kernel)(*tuple(_d.values())))

</pallas_src>

<mosaic_0001>
#map = affine_map<(d0, d1) -> (0, 0, 0)>
#map1 = affine_map<(d0, d1) -> (0, 0)>
module attributes {stable_mosaic.version = 14 : i64} {
  func.func @_sc_body(%arg0: i32, %arg1: i32, %arg2: memref<4x8192x1024xf32, #tpu.memory_space<hbm>>, %arg3: memref<8192x1024xf32, #tpu.memory_space<hbm>>, %arg4: memref<4x8192x1024xf32, #tpu.memory_space<hbm>>, %arg5: memref<16x1024xf32, #tpu.memory_space<vmem>>, %arg6: memref<16x1024xf32, #tpu.memory_space<vmem>>, %arg7: memref<16x1024xf32, #tpu.memory_space<vmem>>, %arg8: memref<16x1024xf32, #tpu.memory_space<vmem>>, %arg9: memref<16x1024xf32, #tpu.memory_space<vmem>>) attributes {dimension_semantics = [#tpu.dimension_semantics<core_parallel>, #tpu.dimension_semantics<subcore_parallel>], iteration_bounds = array<i64: 2, 16>, scalar_prefetch = 0 : i64, scratch_operands = 5 : i64, tpu.core_type = #tpu.core_type<sc_vector_subcore>, window_params = [{transform_indices = #map}, {transform_indices = #map1}, {transform_indices = #map}]} {
    %mul3A = arith.constant 2 : i32
    %mul3A_0 = arith.muli %arg1, %mul3A : i32
    %add3A = arith.addi %mul3A_0, %arg0 : i32
    %mul3A_1 = arith.constant 256 : i32
    %mul3A_2 = arith.muli %add3A, %mul3A_1 : i32
    %scan3A = arith.constant 0 : i32
    %scan3A_3 = arith.constant 0 : i32
    %scan3A_4 = arith.constant 16 : i32
    %scan3A_5 = arith.addi %scan3A_3, %scan3A_4 : i32
    %scan3A_6 = arith.constant 1 : i32
    scf.for %scan3A_8 = %scan3A_3 to %scan3A_5 step %scan3A_6  : i32 {
      %mul3A_9 = arith.constant 16 : i32
      %mul3A_10 = arith.muli %scan3A_8, %mul3A_9 : i32
      %add3A_11 = arith.addi %mul3A_2, %mul3A_10 : i32
      "tpu.region"() ({
        %run_scoped3A_25 = tpu.sem_alloc : memref<!tpu.dma_semaphore, #tpu.memory_space<semaphore_mem>>
        %dma_start3A = arith.constant 0 : i32
        %dma_start3A_26 = tpu.memref_slice %arg3[%add3A_11, %dma_start3A] : memref<8192x1024xf32, #tpu.memory_space<hbm>> -> memref<16x1024xf32, #tpu.memory_space<hbm>>
        %dma_start3A_27 = arith.constant 0 : i32
        %dma_start3A_28 = tpu.memref_slice %arg3[%add3A_11, %dma_start3A_27] : memref<8192x1024xf32, #tpu.memory_space<hbm>> -> memref<16x1024xf32, #tpu.memory_space<hbm>>
        tpu.enqueue_dma source(%dma_start3A_28 : memref<16x1024xf32, #tpu.memory_space<hbm>>) target(%arg9 : memref<16x1024xf32, #tpu.memory_space<vmem>>) target_semaphore(%run_scoped3A_25 : memref<!tpu.dma_semaphore, #tpu.memory_space<semaphore_mem>>)
        %dma_wait3A = arith.constant 0 : i32
        %dma_wait3A_29 = tpu.memref_slice %arg3[%add3A_11, %dma_wait3A] : memref<8192x1024xf32, #tpu.memory_space<hbm>> -> memref<16x1024xf32, #tpu.memory_space<hbm>>
        %dma_wait3A_30 = arith.constant 0 : i32
        %dma_wait3A_31 = tpu.memref_slice %arg3[%add3A_11, %dma_wait3A_30] : memref<8192x1024xf32, #tpu.memory_space<hbm>> -> memref<16x1024xf32, #tpu.memory_space<hbm>>
        tpu.wait_dma2 semaphore(%run_scoped3A_25 : memref<!tpu.dma_semaphore, #tpu.memory_space<semaphore_mem>>) src(%dma_wait3A_31 : memref<16x1024xf32, #tpu.memory_space<hbm>>) dst(%arg9 : memref<16x1024xf32, #tpu.memory_space<vmem>>)
        tpu.yield
      }) : () -> ()
      %run_scoped3A = arith.constant 0 : i32
      "tpu.region"() ({
        %run_scoped3A_25 = tpu.sem_alloc : memref<!tpu.dma_semaphore, #tpu.memory_space<semaphore_mem>>
        %dma_start3A = arith.constant 0 : i32
        %dma_start3A_26 = tpu.memref_slice %arg2[%run_scoped3A, %add3A_11, %dma_start3A] : memref<4x8192x1024xf32, #tpu.memory_space<hbm>> -> memref<1x16x1024xf32, #tpu.memory_space<hbm>>
        %dma_start3A_27 = tpu.memref_squeeze %dma_start3A_26 : memref<1x16x1024xf32, #tpu.memory_space<hbm>> -> memref<16x1024xf32, #tpu.memory_space<hbm>>
        %dma_start3A_28 = arith.constant 0 : i32
        %dma_start3A_29 = tpu.memref_slice %arg2[%run_scoped3A, %add3A_11, %dma_start3A_28] : memref<4x8192x1024xf32, #tpu.memory_space<hbm>> -> memref<1x16x1024xf32, #tpu.memory_space<hbm>>
        %dma_start3A_30 = tpu.memref_squeeze %dma_start3A_29 : memref<1x16x1024xf32, #tpu.memory_space<hbm>> -> memref<16x1024xf32, #tpu.memory_space<hbm>>
        tpu.enqueue_dma source(%dma_start3A_30 : memref<16x1024xf32, #tpu.memory_space<hbm>>) target(%arg5 : memref<16x1024xf32, #tpu.memory_space<vmem>>) target_semaphore(%run_scoped3A_25 : memref<!tpu.dma_semaphore, #tpu.memory_space<semaphore_mem>>)
        %dma_wait3A = arith.constant 0 : i32
        %dma_wait3A_31 = tpu.memref_slice %arg2[%run_scoped3A, %add3A_11, %dma_wait3A] : memref<4x8192x1024xf32, #tpu.memory_space<hbm>> -> memref<1x16x1024xf32, #tpu.memory_space<hbm>>
        %dma_wait3A_32 = tpu.memref_squeeze %dma_wait3A_31 : memref<1x16x1024xf32, #tpu.memory_space<hbm>> -> memref<16x1024xf32, #tpu.memory_space<hbm>>
        %dma_wait3A_33 = arith.constant 0 : i32
        %dma_wait3A_34 = tpu.memref_slice %arg2[%run_scoped3A, %add3A_11, %dma_wait3A_33] : memref<4x8192x1024xf32, #tpu.memory_space<hbm>> -> memref<1x16x1024xf32, #tpu.memory_space<hbm>>
        %dma_wait3A_35 = tpu.memref_squeeze %dma_wait3A_34 : memref<1x16x1024xf32, #tpu.memory_space<hbm>> -> memref<16x1024xf32, #tpu.memory_space<hbm>>
        tpu.wait_dma2 semaphore(%run_scoped3A_25 : memref<!tpu.dma_semaphore, #tpu.memory_space<semaphore_mem>>) src(%dma_wait3A_35 : memref<16x1024xf32, #tpu.memory_space<hbm>>) dst(%arg5 : memref<16x1024xf32, #tpu.memory_space<vmem>>)
        tpu.yield
      }) : () -> ()
      %run_scoped3A_12 = arith.constant 1 : i32
      "tpu.region"() ({
        %run_scoped3A_25 = tpu.sem_alloc : memref<!tpu.dma_semaphore, #tpu.memory_space<semaphore_mem>>
        %dma_start3A = arith.constant 0 : i32
        %dma_start3A_26 = tpu.memref_slice %arg2[%run_scoped3A_12, %add3A_11, %dma_start3A] : memref<4x8192x1024xf32, #tpu.memory_space<hbm>> -> memref<1x16x1024xf32, #tpu.memory_space<hbm>>
        %dma_start3A_27 = tpu.memref_squeeze %dma_start3A_26 : memref<1x16x1024xf32, #tpu.memory_space<hbm>> -> memref<16x1024xf32, #tpu.memory_space<hbm>>
        %dma_start3A_28 = arith.constant 0 : i32
        %dma_start3A_29 = tpu.memref_slice %arg2[%run_scoped3A_12, %add3A_11, %dma_start3A_28] : memref<4x8192x1024xf32, #tpu.memory_space<hbm>> -> memref<1x16x1024xf32, #tpu.memory_space<hbm>>
        %dma_start3A_30 = tpu.memref_squeeze %dma_start3A_29 : memref<1x16x1024xf32, #tpu.memory_space<hbm>> -> memref<16x1024xf32, #tpu.memory_space<hbm>>
        tpu.enqueue_dma source(%dma_start3A_30 : memref<16x1024xf32, #tpu.memory_space<hbm>>) target(%arg6 : memref<16x1024xf32, #tpu.memory_space<vmem>>) target_semaphore(%run_scoped3A_25 : memref<!tpu.dma_semaphore, #tpu.memory_space<semaphore_mem>>)
        %dma_wait3A = arith.constant 0 : i32
        %dma_wait3A_31 = tpu.memref_slice %arg2[%run_scoped3A_12, %add3A_11, %dma_wait3A] : memref<4x8192x1024xf32, #tpu.memory_space<hbm>> -> memref<1x16x1024xf32, #tpu.memory_space<hbm>>
        %dma_wait3A_32 = tpu.memref_squeeze %dma_wait3A_31 : memref<1x16x1024xf32, #tpu.memory_space<hbm>> -> memref<16x1024xf32, #tpu.memory_space<hbm>>
        %dma_wait3A_33 = arith.constant 0 : i32
        %dma_wait3A_34 = tpu.memref_slice %arg2[%run_scoped3A_12, %add3A_11, %dma_wait3A_33] : memref<4x8192x1024xf32, #tpu.memory_space<hbm>> -> memref<1x16x1024xf32, #tpu.memory_space<hbm>>
        %dma_wait3A_35 = tpu.memref_squeeze %dma_wait3A_34 : memref<1x16x1024xf32, #tpu.memory_space<hbm>> -> memref<16x1024xf32, #tpu.memory_space<hbm>>
        tpu.wait_dma2 semaphore(%run_scoped3A_25 : memref<!tpu.dma_semaphore, #tpu.memory_space<semaphore_mem>>) src(%dma_wait3A_35 : memref<16x1024xf32, #tpu.memory_space<hbm>>) dst(%arg6 : memref<16x1024xf32, #tpu.memory_space<vmem>>)
        tpu.yield
      }) : () -> ()
      %run_scoped3A_13 = arith.constant 2 : i32
      "tpu.region"() ({
        %run_scoped3A_25 = tpu.sem_alloc : memref<!tpu.dma_semaphore, #tpu.memory_space<semaphore_mem>>
        %dma_start3A = arith.constant 0 : i32
        %dma_start3A_26 = tpu.memref_slice %arg2[%run_scoped3A_13, %add3A_11, %dma_start3A] : memref<4x8192x1024xf32, #tpu.memory_space<hbm>> -> memref<1x16x1024xf32, #tpu.memory_space<hbm>>
        %dma_start3A_27 = tpu.memref_squeeze %dma_start3A_26 : memref<1x16x1024xf32, #tpu.memory_space<hbm>> -> memref<16x1024xf32, #tpu.memory_space<hbm>>
        %dma_start3A_28 = arith.constant 0 : i32
        %dma_start3A_29 = tpu.memref_slice %arg2[%run_scoped3A_13, %add3A_11, %dma_start3A_28] : memref<4x8192x1024xf32, #tpu.memory_space<hbm>> -> memref<1x16x1024xf32, #tpu.memory_space<hbm>>
        %dma_start3A_30 = tpu.memref_squeeze %dma_start3A_29 : memref<1x16x1024xf32, #tpu.memory_space<hbm>> -> memref<16x1024xf32, #tpu.memory_space<hbm>>
        tpu.enqueue_dma source(%dma_start3A_30 : memref<16x1024xf32, #tpu.memory_space<hbm>>) target(%arg7 : memref<16x1024xf32, #tpu.memory_space<vmem>>) target_semaphore(%run_scoped3A_25 : memref<!tpu.dma_semaphore, #tpu.memory_space<semaphore_mem>>)
        %dma_wait3A = arith.constant 0 : i32
        %dma_wait3A_31 = tpu.memref_slice %arg2[%run_scoped3A_13, %add3A_11, %dma_wait3A] : memref<4x8192x1024xf32, #tpu.memory_space<hbm>> -> memref<1x16x1024xf32, #tpu.memory_space<hbm>>
        %dma_wait3A_32 = tpu.memref_squeeze %dma_wait3A_31 : memref<1x16x1024xf32, #tpu.memory_space<hbm>> -> memref<16x1024xf32, #tpu.memory_space<hbm>>
        %dma_wait3A_33 = arith.constant 0 : i32
        %dma_wait3A_34 = tpu.memref_slice %arg2[%run_scoped3A_13, %add3A_11, %dma_wait3A_33] : memref<4x8192x1024xf32, #tpu.memory_space<hbm>> -> memref<1x16x1024xf32, #tpu.memory_space<hbm>>
        %dma_wait3A_35 = tpu.memref_squeeze %dma_wait3A_34 : memref<1x16x1024xf32, #tpu.memory_space<hbm>> -> memref<16x1024xf32, #tpu.memory_space<hbm>>
        tpu.wait_dma2 semaphore(%run_scoped3A_25 : memref<!tpu.dma_semaphore, #tpu.memory_space<semaphore_mem>>) src(%dma_wait3A_35 : memref<16x1024xf32, #tpu.memory_space<hbm>>) dst(%arg7 : memref<16x1024xf32, #tpu.memory_space<vmem>>)
        tpu.yield
      }) : () -> ()
      %run_scoped3A_14 = arith.constant 3 : i32
      "tpu.region"() ({
        %run_scoped3A_25 = tpu.sem_alloc : memref<!tpu.dma_semaphore, #tpu.memory_space<semaphore_mem>>
        %dma_start3A = arith.constant 0 : i32
        %dma_start3A_26 = tpu.memref_slice %arg2[%run_scoped3A_14, %add3A_11, %dma_start3A] : memref<4x8192x1024xf32, #tpu.memory_space<hbm>> -> memref<1x16x1024xf32, #tpu.memory_space<hbm>>
        %dma_start3A_27 = tpu.memref_squeeze %dma_start3A_26 : memref<1x16x1024xf32, #tpu.memory_space<hbm>> -> memref<16x1024xf32, #tpu.memory_space<hbm>>
        %dma_start3A_28 = arith.constant 0 : i32
        %dma_start3A_29 = tpu.memref_slice %arg2[%run_scoped3A_14, %add3A_11, %dma_start3A_28] : memref<4x8192x1024xf32, #tpu.memory_space<hbm>> -> memref<1x16x1024xf32, #tpu.memory_space<hbm>>
        %dma_start3A_30 = tpu.memref_squeeze %dma_start3A_29 : memref<1x16x1024xf32, #tpu.memory_space<hbm>> -> memref<16x1024xf32, #tpu.memory_space<hbm>>
        tpu.enqueue_dma source(%dma_start3A_30 : memref<16x1024xf32, #tpu.memory_space<hbm>>) target(%arg8 : memref<16x1024xf32, #tpu.memory_space<vmem>>) target_semaphore(%run_scoped3A_25 : memref<!tpu.dma_semaphore, #tpu.memory_space<semaphore_mem>>)
        %dma_wait3A = arith.constant 0 : i32
        %dma_wait3A_31 = tpu.memref_slice %arg2[%run_scoped3A_14, %add3A_11, %dma_wait3A] : memref<4x8192x1024xf32, #tpu.memory_space<hbm>> -> memref<1x16x1024xf32, #tpu.memory_space<hbm>>
        %dma_wait3A_32 = tpu.memref_squeeze %dma_wait3A_31 : memref<1x16x1024xf32, #tpu.memory_space<hbm>> -> memref<16x1024xf32, #tpu.memory_space<hbm>>
        %dma_wait3A_33 = arith.constant 0 : i32
        %dma_wait3A_34 = tpu.memref_slice %arg2[%run_scoped3A_14, %add3A_11, %dma_wait3A_33] : memref<4x8192x1024xf32, #tpu.memory_space<hbm>> -> memref<1x16x1024xf32, #tpu.memory_space<hbm>>
        %dma_wait3A_35 = tpu.memref_squeeze %dma_wait3A_34 : memref<1x16x1024xf32, #tpu.memory_space<hbm>> -> memref<16x1024xf32, #tpu.memory_space<hbm>>
        tpu.wait_dma2 semaphore(%run_scoped3A_25 : memref<!tpu.dma_semaphore, #tpu.memory_space<semaphore_mem>>) src(%dma_wait3A_35 : memref<16x1024xf32, #tpu.memory_space<hbm>>) dst(%arg8 : memref<16x1024xf32, #tpu.memory_space<vmem>>)
        tpu.yield
      }) : () -> ()
      %scan3A_15 = arith.constant 0 : i32
      %scan3A_16 = arith.constant 0 : i32
      %scan3A_17 = arith.constant 16 : i32
      %scan3A_18 = arith.addi %scan3A_16, %scan3A_17 : i32
      %scan3A_19 = arith.constant 1 : i32
      scf.for %scan3A_25 = %scan3A_16 to %scan3A_18 step %scan3A_19  : i32 {
        %parallel_loop3A = arith.constant 0 : i32
        %parallel_loop3A_26 = arith.constant 1024 : i32
        %parallel_loop3A_27 = arith.constant 16 : i32
        scf.for %parallel_loop3A_28 = %parallel_loop3A to %parallel_loop3A_26 step %parallel_loop3A_27  : i32 {
          %parallel_loop3A_29 = arith.index_cast %scan3A_25 : i32 to index
          %parallel_loop3A_30 = arith.index_cast %parallel_loop3A_28 : i32 to index
          %parallel_loop3A_31 = tpu.vector_load %arg9[%parallel_loop3A_29, %parallel_loop3A_30] {strides = array<i32>} : memref<16x1024xf32, #tpu.memory_space<vmem>>, vector<1x16xf32>,
          %parallel_loop3A_32 = vector.shape_cast %parallel_loop3A_31 : vector<1x16xf32> to vector<16xf32>
          %parallel_loop3A_33 = arith.index_cast %scan3A_25 : i32 to index
          %parallel_loop3A_34 = arith.index_cast %parallel_loop3A_28 : i32 to index
          %parallel_loop3A_35 = tpu.vector_load %arg5[%parallel_loop3A_33, %parallel_loop3A_34] {strides = array<i32>} : memref<16x1024xf32, #tpu.memory_space<vmem>>, vector<1x16xf32>,
          %parallel_loop3A_36 = vector.shape_cast %parallel_loop3A_35 : vector<1x16xf32> to vector<16xf32>
          %parallel_loop3A_37 = vector.shape_cast %parallel_loop3A_32 : vector<16xf32> to vector<1x16xf32>
          tpu.vector_store %arg5[%parallel_loop3A_33, %parallel_loop3A_34], %parallel_loop3A_37 {add = true, strides = array<i32>} : memref<16x1024xf32, #tpu.memory_space<vmem>>, vector<1x16xf32>,
          %parallel_loop3A_38 = arith.index_cast %scan3A_25 : i32 to index
          %parallel_loop3A_39 = arith.index_cast %parallel_loop3A_28 : i32 to index
          %parallel_loop3A_40 = tpu.vector_load %arg6[%parallel_loop3A_38, %parallel_loop3A_39] {strides = array<i32>} : memref<16x1024xf32, #tpu.memory_space<vmem>>, vector<1x16xf32>,
          %parallel_loop3A_41 = vector.shape_cast %parallel_loop3A_40 : vector<1x16xf32> to vector<16xf32>
          %parallel_loop3A_42 = vector.shape_cast %parallel_loop3A_32 : vector<16xf32> to vector<1x16xf32>
          tpu.vector_store %arg6[%parallel_loop3A_38, %parallel_loop3A_39], %parallel_loop3A_42 {add = true, strides = array<i32>} : memref<16x1024xf32, #tpu.memory_space<vmem>>, vector<1x16xf32>,
          %parallel_loop3A_43 = arith.index_cast %scan3A_25 : i32 to index
          %parallel_loop3A_44 = arith.index_cast %parallel_loop3A_28 : i32 to index
          %parallel_loop3A_45 = tpu.vector_load %arg7[%parallel_loop3A_43, %parallel_loop3A_44] {strides = array<i32>} : memref<16x1024xf32, #tpu.memory_space<vmem>>, vector<1x16xf32>,
          %parallel_loop3A_46 = vector.shape_cast %parallel_loop3A_45 : vector<1x16xf32> to vector<16xf32>
          %parallel_loop3A_47 = vector.shape_cast %parallel_loop3A_32 : vector<16xf32> to vector<1x16xf32>
          tpu.vector_store %arg7[%parallel_loop3A_43, %parallel_loop3A_44], %parallel_loop3A_47 {add = true, strides = array<i32>} : memref<16x1024xf32, #tpu.memory_space<vmem>>, vector<1x16xf32>,
          %parallel_loop3A_48 = arith.index_cast %scan3A_25 : i32 to index
          %parallel_loop3A_49 = arith.index_cast %parallel_loop3A_28 : i32 to index
          %parallel_loop3A_50 = tpu.vector_load %arg8[%parallel_loop3A_48, %parallel_loop3A_49] {strides = array<i32>} : memref<16x1024xf32, #tpu.memory_space<vmem>>, vector<1x16xf32>,
          %parallel_loop3A_51 = vector.shape_cast %parallel_loop3A_50 : vector<1x16xf32> to vector<16xf32>
          %parallel_loop3A_52 = vector.shape_cast %parallel_loop3A_32 : vector<16xf32> to vector<1x16xf32>
          tpu.vector_store %arg8[%parallel_loop3A_48, %parallel_loop3A_49], %parallel_loop3A_52 {add = true, strides = array<i32>} : memref<16x1024xf32, #tpu.memory_space<vmem>>, vector<1x16xf32>,
        } {sc.loop_unroll_factor = 8 : i64, sc.parallel_access}
      }
      %scan3A_20 = arith.constant 16 : i32
      %run_scoped3A_21 = arith.constant 0 : i32
      "tpu.region"() ({
        %run_scoped3A_25 = tpu.sem_alloc : memref<!tpu.dma_semaphore, #tpu.memory_space<semaphore_mem>>
        %dma_start3A = arith.constant 0 : i32
        %dma_start3A_26 = tpu.memref_slice %arg4[%run_scoped3A_21, %add3A_11, %dma_start3A] : memref<4x8192x1024xf32, #tpu.memory_space<hbm>> -> memref<1x16x1024xf32, #tpu.memory_space<hbm>>
        %dma_start3A_27 = tpu.memref_squeeze %dma_start3A_26 : memref<1x16x1024xf32, #tpu.memory_space<hbm>> -> memref<16x1024xf32, #tpu.memory_space<hbm>>
        %dma_start3A_28 = arith.constant 0 : i32
        %dma_start3A_29 = tpu.memref_slice %arg4[%run_scoped3A_21, %add3A_11, %dma_start3A_28] : memref<4x8192x1024xf32, #tpu.memory_space<hbm>> -> memref<1x16x1024xf32, #tpu.memory_space<hbm>>
        %dma_start3A_30 = tpu.memref_squeeze %dma_start3A_29 : memref<1x16x1024xf32, #tpu.memory_space<hbm>> -> memref<16x1024xf32, #tpu.memory_space<hbm>>
        tpu.enqueue_dma source(%arg5 : memref<16x1024xf32, #tpu.memory_space<vmem>>) target(%dma_start3A_30 : memref<16x1024xf32, #tpu.memory_space<hbm>>) target_semaphore(%run_scoped3A_25 : memref<!tpu.dma_semaphore, #tpu.memory_space<semaphore_mem>>)
        %dma_wait3A = arith.constant 0 : i32
        %dma_wait3A_31 = tpu.memref_slice %arg4[%run_scoped3A_21, %add3A_11, %dma_wait3A] : memref<4x8192x1024xf32, #tpu.memory_space<hbm>> -> memref<1x16x1024xf32, #tpu.memory_space<hbm>>
        %dma_wait3A_32 = tpu.memref_squeeze %dma_wait3A_31 : memref<1x16x1024xf32, #tpu.memory_space<hbm>> -> memref<16x1024xf32, #tpu.memory_space<hbm>>
        %dma_wait3A_33 = arith.constant 0 : i32
        %dma_wait3A_34 = tpu.memref_slice %arg4[%run_scoped3A_21, %add3A_11, %dma_wait3A_33] : memref<4x8192x1024xf32, #tpu.memory_space<hbm>> -> memref<1x16x1024xf32, #tpu.memory_space<hbm>>
        %dma_wait3A_35 = tpu.memref_squeeze %dma_wait3A_34 : memref<1x16x1024xf32, #tpu.memory_space<hbm>> -> memref<16x1024xf32, #tpu.memory_space<hbm>>
        tpu.wait_dma2 semaphore(%run_scoped3A_25 : memref<!tpu.dma_semaphore, #tpu.memory_space<semaphore_mem>>) src(%arg5 : memref<16x1024xf32, #tpu.memory_space<vmem>>) dst(%dma_wait3A_35 : memref<16x1024xf32, #tpu.memory_space<hbm>>)
        tpu.yield
      }) : () -> ()
      %run_scoped3A_22 = arith.constant 1 : i32
      "tpu.region"() ({
        %run_scoped3A_25 = tpu.sem_alloc : memref<!tpu.dma_semaphore, #tpu.memory_space<semaphore_mem>>
        %dma_start3A = arith.constant 0 : i32
        %dma_start3A_26 = tpu.memref_slice %arg4[%run_scoped3A_22, %add3A_11, %dma_start3A] : memref<4x8192x1024xf32, #tpu.memory_space<hbm>> -> memref<1x16x1024xf32, #tpu.memory_space<hbm>>
        %dma_start3A_27 = tpu.memref_squeeze %dma_start3A_26 : memref<1x16x1024xf32, #tpu.memory_space<hbm>> -> memref<16x1024xf32, #tpu.memory_space<hbm>>
        %dma_start3A_28 = arith.constant 0 : i32
        %dma_start3A_29 = tpu.memref_slice %arg4[%run_scoped3A_22, %add3A_11, %dma_start3A_28] : memref<4x8192x1024xf32, #tpu.memory_space<hbm>> -> memref<1x16x1024xf32, #tpu.memory_space<hbm>>
        %dma_start3A_30 = tpu.memref_squeeze %dma_start3A_29 : memref<1x16x1024xf32, #tpu.memory_space<hbm>> -> memref<16x1024xf32, #tpu.memory_space<hbm>>
        tpu.enqueue_dma source(%arg6 : memref<16x1024xf32, #tpu.memory_space<vmem>>) target(%dma_start3A_30 : memref<16x1024xf32, #tpu.memory_space<hbm>>) target_semaphore(%run_scoped3A_25 : memref<!tpu.dma_semaphore, #tpu.memory_space<semaphore_mem>>)
        %dma_wait3A = arith.constant 0 : i32
        %dma_wait3A_31 = tpu.memref_slice %arg4[%run_scoped3A_22, %add3A_11, %dma_wait3A] : memref<4x8192x1024xf32, #tpu.memory_space<hbm>> -> memref<1x16x1024xf32, #tpu.memory_space<hbm>>
        %dma_wait3A_32 = tpu.memref_squeeze %dma_wait3A_31 : memref<1x16x1024xf32, #tpu.memory_space<hbm>> -> memref<16x1024xf32, #tpu.memory_space<hbm>>
        %dma_wait3A_33 = arith.constant 0 : i32
        %dma_wait3A_34 = tpu.memref_slice %arg4[%run_scoped3A_22, %add3A_11, %dma_wait3A_33] : memref<4x8192x1024xf32, #tpu.memory_space<hbm>> -> memref<1x16x1024xf32, #tpu.memory_space<hbm>>
        %dma_wait3A_35 = tpu.memref_squeeze %dma_wait3A_34 : memref<1x16x1024xf32, #tpu.memory_space<hbm>> -> memref<16x1024xf32, #tpu.memory_space<hbm>>
        tpu.wait_dma2 semaphore(%run_scoped3A_25 : memref<!tpu.dma_semaphore, #tpu.memory_space<semaphore_mem>>) src(%arg6 : memref<16x1024xf32, #tpu.memory_space<vmem>>) dst(%dma_wait3A_35 : memref<16x1024xf32, #tpu.memory_space<hbm>>)
        tpu.yield
      }) : () -> ()
      %run_scoped3A_23 = arith.constant 2 : i32
      "tpu.region"() ({
        %run_scoped3A_25 = tpu.sem_alloc : memref<!tpu.dma_semaphore, #tpu.memory_space<semaphore_mem>>
        %dma_start3A = arith.constant 0 : i32
        %dma_start3A_26 = tpu.memref_slice %arg4[%run_scoped3A_23, %add3A_11, %dma_start3A] : memref<4x8192x1024xf32, #tpu.memory_space<hbm>> -> memref<1x16x1024xf32, #tpu.memory_space<hbm>>
        %dma_start3A_27 = tpu.memref_squeeze %dma_start3A_26 : memref<1x16x1024xf32, #tpu.memory_space<hbm>> -> memref<16x1024xf32, #tpu.memory_space<hbm>>
        %dma_start3A_28 = arith.constant 0 : i32
        %dma_start3A_29 = tpu.memref_slice %arg4[%run_scoped3A_23, %add3A_11, %dma_start3A_28] : memref<4x8192x1024xf32, #tpu.memory_space<hbm>> -> memref<1x16x1024xf32, #tpu.memory_space<hbm>>
        %dma_start3A_30 = tpu.memref_squeeze %dma_start3A_29 : memref<1x16x1024xf32, #tpu.memory_space<hbm>> -> memref<16x1024xf32, #tpu.memory_space<hbm>>
        tpu.enqueue_dma source(%arg7 : memref<16x1024xf32, #tpu.memory_space<vmem>>) target(%dma_start3A_30 : memref<16x1024xf32, #tpu.memory_space<hbm>>) target_semaphore(%run_scoped3A_25 : memref<!tpu.dma_semaphore, #tpu.memory_space<semaphore_mem>>)
        %dma_wait3A = arith.constant 0 : i32
        %dma_wait3A_31 = tpu.memref_slice %arg4[%run_scoped3A_23, %add3A_11, %dma_wait3A] : memref<4x8192x1024xf32, #tpu.memory_space<hbm>> -> memref<1x16x1024xf32, #tpu.memory_space<hbm>>
        %dma_wait3A_32 = tpu.memref_squeeze %dma_wait3A_31 : memref<1x16x1024xf32, #tpu.memory_space<hbm>> -> memref<16x1024xf32, #tpu.memory_space<hbm>>
        %dma_wait3A_33 = arith.constant 0 : i32
        %dma_wait3A_34 = tpu.memref_slice %arg4[%run_scoped3A_23, %add3A_11, %dma_wait3A_33] : memref<4x8192x1024xf32, #tpu.memory_space<hbm>> -> memref<1x16x1024xf32, #tpu.memory_space<hbm>>
        %dma_wait3A_35 = tpu.memref_squeeze %dma_wait3A_34 : memref<1x16x1024xf32, #tpu.memory_space<hbm>> -> memref<16x1024xf32, #tpu.memory_space<hbm>>
        tpu.wait_dma2 semaphore(%run_scoped3A_25 : memref<!tpu.dma_semaphore, #tpu.memory_space<semaphore_mem>>) src(%arg7 : memref<16x1024xf32, #tpu.memory_space<vmem>>) dst(%dma_wait3A_35 : memref<16x1024xf32, #tpu.memory_space<hbm>>)
        tpu.yield
      }) : () -> ()
      %run_scoped3A_24 = arith.constant 3 : i32
      "tpu.region"() ({
        %run_scoped3A_25 = tpu.sem_alloc : memref<!tpu.dma_semaphore, #tpu.memory_space<semaphore_mem>>
        %dma_start3A = arith.constant 0 : i32
        %dma_start3A_26 = tpu.memref_slice %arg4[%run_scoped3A_24, %add3A_11, %dma_start3A] : memref<4x8192x1024xf32, #tpu.memory_space<hbm>> -> memref<1x16x1024xf32, #tpu.memory_space<hbm>>
        %dma_start3A_27 = tpu.memref_squeeze %dma_start3A_26 : memref<1x16x1024xf32, #tpu.memory_space<hbm>> -> memref<16x1024xf32, #tpu.memory_space<hbm>>
        %dma_start3A_28 = arith.constant 0 : i32
        %dma_start3A_29 = tpu.memref_slice %arg4[%run_scoped3A_24, %add3A_11, %dma_start3A_28] : memref<4x8192x1024xf32, #tpu.memory_space<hbm>> -> memref<1x16x1024xf32, #tpu.memory_space<hbm>>
        %dma_start3A_30 = tpu.memref_squeeze %dma_start3A_29 : memref<1x16x1024xf32, #tpu.memory_space<hbm>> -> memref<16x1024xf32, #tpu.memory_space<hbm>>
        tpu.enqueue_dma source(%arg8 : memref<16x1024xf32, #tpu.memory_space<vmem>>) target(%dma_start3A_30 : memref<16x1024xf32, #tpu.memory_space<hbm>>) target_semaphore(%run_scoped3A_25 : memref<!tpu.dma_semaphore, #tpu.memory_space<semaphore_mem>>)
        %dma_wait3A = arith.constant 0 : i32
        %dma_wait3A_31 = tpu.memref_slice %arg4[%run_scoped3A_24, %add3A_11, %dma_wait3A] : memref<4x8192x1024xf32, #tpu.memory_space<hbm>> -> memref<1x16x1024xf32, #tpu.memory_space<hbm>>
        %dma_wait3A_32 = tpu.memref_squeeze %dma_wait3A_31 : memref<1x16x1024xf32, #tpu.memory_space<hbm>> -> memref<16x1024xf32, #tpu.memory_space<hbm>>
        %dma_wait3A_33 = arith.constant 0 : i32
        %dma_wait3A_34 = tpu.memref_slice %arg4[%run_scoped3A_24, %add3A_11, %dma_wait3A_33] : memref<4x8192x1024xf32, #tpu.memory_space<hbm>> -> memref<1x16x1024xf32, #tpu.memory_space<hbm>>
        %dma_wait3A_35 = tpu.memref_squeeze %dma_wait3A_34 : memref<1x16x1024xf32, #tpu.memory_space<hbm>> -> memref<16x1024xf32, #tpu.memory_space<hbm>>
        tpu.wait_dma2 semaphore(%run_scoped3A_25 : memref<!tpu.dma_semaphore, #tpu.memory_space<semaphore_mem>>) src(%arg8 : memref<16x1024xf32, #tpu.memory_space<vmem>>) dst(%dma_wait3A_35 : memref<16x1024xf32, #tpu.memory_space<hbm>>)
        tpu.yield
      }) : () -> ()
    }
    %scan3A_7 = arith.constant 16 : i32
    return
  }
}

</mosaic_0001>

<sc_bundles>
// kernel: kernel.3.cloned.1.call-start
scs
__scs_entry_jumppad:
0x0: {  	(pc) =	sbr.rel $0x88, $3  }
0x1: {  	(tag) =	ssettag $0x0;
	lr =	simm.s32 $0x1  }
0x2: {  	[smem:$0x3F9F] =	sst lr;
	_ =	strace $0xD0000000  }
0x3: {  	_ = 	snop  }
0x4: {  	_ = 	snop  }
0x5: {  	_ = 	snop  }
0x6: {  	_ = 	snop  }
0x7: {  	_ = 	snop  }
__scs_overlays_trampoline_lowered:
0x8: {  	[smem:$0x3FAE] =	sst s0  }
0x9: {  	[smem:$0x3FAF] =	sst s1  }
0xa: {  	[smem:$0x3FB0] =	sst s2  }
0xb: {  	[smem:$0x3FB1] =	sst s3  }
0xc: {  	[smem:$0x3FB2] =	sst s4  }
0xd: {  	[smem:$0x3FB3] =	sst s5  }
0xe: {  	[smem:$0x3FB4] =	sst s6  }
0xf: {  	[smem:$0x3FB5] =	sst s7  }
0x10: {  	[smem:$0x3FB6] =	sst s8  }
0x11: {  	[smem:$0x3FB7] =	sst s9;
	s0 =	simm.s32 @!p0 $0x0  }
0x12: {  	s1 =	sld [smem:$0x3F9D];
	s0 =	simm.s32 @p0 $0x1  }
0x13: {  	[smem:$0x3FB8] =	sst s0;
	s0 =	simm.s32 @!p1 $0x0  }
0x14: {  	s2 =	sld [smem:$0x3F9C];
	s0 =	simm.s32 @p1 $0x1  }
0x15: {  	[smem:$0x3FB9] =	sst s0;
	s0 =	simm.s32 @!p2 $0x0  }
0x16: {  	s3 =	sld [smem:$0x3FDB];
	s0 =	simm.s32 @p2 $0x1  }
0x17: {  	s4 =	simm.s32 $0x1BF5;
	[smem:$0x3FBB] =	sst s0  }
0x18: {  	s0 =	sld [smem:$0x3F9E];
	_ =	swait.ge [sflag:s4], $0x0  }
0x19: {  	s7 =	sld [smem:$0x3F9F]  }
0x1a: {  	s8 =	sadd.s32 $0xFFFFE003, lr  }
0x1b: {  	s9 =	sadd.s32 $0xFFFFFEF7, lr;
	s5 =	simm.s32 $0xFFFFFFFF;
	p2 =	slt.u32 s8, $0xFFFFF086  }
0x1c: {  	p1 =	slt.u32 s9, $0xF7A;
	s5 =	simm.s32 @!p2 $0x0  }
0x1d: {  	s5 =	simm.s32 @p1 $0x1;
	p0 =	seq.s32 s7, s2  }
0x1e: {  	s7 =	smul.u32 @!p0 $0xF7A, s2;
	p2 =	seq.s32 @!p0 s5, $0x0  }
0x1f: {  	s9 =	smul.u32 $0xF7A, s1;
	s8 =	simm.s32 @!p0 $0x1BF5;
	p2 =	por !p2, p0  }
0x20: {  	[sflag:s8] =	ssyncset.s32 @!p0 $0xFFFFF086;
	s6 =	sadd.s32 @!p0 s3, s7;
	s7 =	simm.s32 @!p0 $0x108  }
0x21: {  	s3 =	sadd.s32 s3, s9;
	s6 =	sadd.s32 @!p0 $0x88, s6;
	s7 =	simm.s32 @p2 $0x1082  }
0x22: {  	[simem:s7], [sflag:s8] =	dma.local @!p0 [hbm:s6], $0xF7A  }
0x23: {  	s9 =	sor.u32 $0xD0000000, s2;
	s6 =	simm.s32 $0x108;
	_ =	swait.ge @!p0 [sflag:s8], $0x0  }
0x24: {  	s3 =	sadd.s32 $0x88, s3;
	s6 =	simm.s32 @!p1 $0x1082;
	[sflag:s4] =	ssyncset.s32 $0xFFFFF086  }
0x25: {  	[simem:s6], [sflag:s4] =	dma.local [hbm:s3], $0xF7A  }
0x26: {  	[smem:$0x3F9F] =	sst s1;
	(tag) =	ssettag s2;
	_ =	strace s9  }
0x27: {  	s1 =	sld [smem:$0x3FAF]  }
0x28: {  	s2 =	sld [smem:$0x3FB0]  }
0x29: {  	s4 =	sld [smem:$0x3FB2]  }
0x2a: {  	p0 =	seq.s32 s5, $0x0;
	s5 =	sld [smem:$0x3FB3]  }
0x2b: {  	s6 =	sld [smem:$0x3FB4]  }
0x2c: {  	s7 =	sld [smem:$0x3FB5]  }
0x2d: {  	s3 =	simm.s32 $0x108;
	s8 =	sld [smem:$0x3FB6]  }
0x2e: {  	s3 =	simm.s32 @!p0 $0x1082;
	s9 =	sld [smem:$0x3FB7]  }
0x2f: {  	lr =	sadd.s32 s0, s3;
	s0 =	sld [smem:$0x3FAE]  }
0x30: {  	s3 =	sld [smem:$0x3FB1]  }
0x31: {  	[smem:$0x3FBA] =	sst s10  }
0x32: {  	s10 =	sld [smem:$0x3FB8];
	_ =	sdelay $0x3  }
0x33: {  	p0 =	seq.s32 s10, $0x1;
	s10 =	sld [smem:$0x3FBA];
	_ =	sdelay $0x3  }
0x34: {  	[smem:$0x3FBA] =	sst s10  }
0x35: {  	s10 =	sld [smem:$0x3FB9];
	_ =	sdelay $0x3  }
0x36: {  	p1 =	seq.s32 s10, $0x1;
	s10 =	sld [smem:$0x3FBA];
	_ =	sdelay $0x3  }
0x37: {  	[smem:$0x3FBA] =	sst s10  }
0x38: {  	s10 =	sld [smem:$0x3FBB]  }
0x39: {  	_ = 	snop;
	(pc) =	sbr.ind lr, $3  }
0x3a: {  	_ = 	snop  }
0x3b: {  	_ = 	snop  }
0x3c: {  	p2 =	seq.s32 s10, $0x1;
	s10 =	sld [smem:$0x3FBA]  }
0x3d: {  	_ =	shalt  }
0x3e: {  	_ =	shalt  }
0x3f: {  	_ =	shalt  }
0x40: {  	_ =	shalt  }
0x41: {  	_ =	shalt  }
0x42: {  	_ =	shalt  }
0x43: {  	_ =	shalt  }
0x44: {  	_ =	shalt  }
0x45: {  	_ =	shalt  }
0x46: {  	_ =	shalt  }
0x47: {  	_ =	shalt  }
0x48: {  	_ =	shalt  }
0x49: {  	_ =	shalt  }
0x4a: {  	_ =	shalt  }
0x4b: {  	_ =	shalt  }
0x4c: {  	_ =	shalt  }
0x4d: {  	_ =	shalt  }
0x4e: {  	_ =	shalt  }
0x4f: {  	_ =	shalt  }
0x50: {  	_ =	shalt  }
0x51: {  	_ =	shalt  }
0x52: {  	_ =	shalt  }
0x53: {  	_ =	shalt  }
0x54: {  	_ =	shalt  }
0x55: {  	_ =	shalt  }
0x56: {  	_ =	shalt  }
0x57: {  	_ =	shalt  }
0x58: {  	_ =	shalt  }
0x59: {  	_ =	shalt  }
0x5a: {  	_ =	shalt  }
0x5b: {  	_ =	shalt  }
0x5c: {  	_ =	shalt  }
0x5d: {  	_ =	shalt  }
0x5e: {  	_ =	shalt  }
0x5f: {  	_ =	shalt  }
0x60: {  	_ =	shalt  }
0x61: {  	_ =	shalt  }
0x62: {  	_ =	shalt  }
0x63: {  	_ =	shalt  }
0x64: {  	_ =	shalt  }
0x65: {  	_ =	shalt  }
0x66: {  	_ =	shalt  }
0x67: {  	_ =	shalt  }
0x68: {  	_ =	shalt  }
0x69: {  	_ =	shalt  }
0x6a: {  	_ =	shalt  }
0x6b: {  	_ =	shalt  }
0x6c: {  	_ =	shalt  }
0x6d: {  	_ =	shalt  }
0x6e: {  	_ =	shalt  }
0x6f: {  	_ =	shalt  }
0x70: {  	_ =	shalt  }
0x71: {  	_ =	shalt  }
0x72: {  	_ =	shalt  }
0x73: {  	_ =	shalt  }
0x74: {  	_ =	shalt  }
0x75: {  	_ =	shalt  }
0x76: {  	_ =	shalt  }
0x77: {  	_ =	shalt  }
0x78: {  	_ =	shalt  }
0x79: {  	_ =	shalt  }
0x7a: {  	_ =	shalt  }
0x7b: {  	_ =	shalt  }
0x7c: {  	_ =	shalt  }
0x7d: {  	_ =	shalt  }
0x7e: {  	_ =	shalt  }
0x7f: {  	_ =	shalt  }
0x80: {  	_ =	shalt  }
0x81: {  	_ =	shalt  }
0x82: {  	_ =	shalt  }
0x83: {  	_ =	shalt  }
0x84: {  	_ =	shalt  }
0x85: {  	_ =	shalt  }
0x86: {  	_ =	shalt  }
0x87: {  	_ =	shalt  }
.Lfunc_end0:
.L_simem_size_0:
called_computation_lowered:
.L_overlay_start_0:
0x88: {  	s2 =	sld [smem:$0x3FD9]  }
0x89: {  	s3 =	sld [smem:$0x3FFE];
	_ =	sdelay $0x1  }
0x8a: {  	s1 =	srdreg.scid  }
0x8b: {  	s0 =	sand.u32 $0x1, s1  }
0x8c: {  	s18 =	sshll.u32 s0, $0xA;
	s2 =	sadd.s32 s3, s2  }
0x8d: {  	s2 =	sadd.s32 s2, s18  }
0x8e: {  	[smem:$0x3FC6] =	sst s2  }
0x8f: {  	_ = 	snop  }
0x90: {  	s2 =	sld [smem:$0x3FC9]  }
0x91: {  	s19 =	sld [smem:$0x3FC8]  }
0x92: {  	s4 =	sld [smem:$0x3FD0];
	(tm) =	ssettm $0x1  }
0x93: {  	s5 =	sld [smem:$0x3FFB];
	_ =	sdelay $0x3  }
0x94: {  	_ =	strace s5  }
0x95: {  	s5 =	sld [smem:$0x3FFC];
	_ =	sdelay $0x3  }
0x96: {  	_ =	strace s5  }
0x97: {  	s5 =	sld [smem:$0x3FFD];
	_ =	sdelay $0x3  }
0x98: {  	_ =	strace s5  }
0x99: {  	_ =	strace $0x8FFFFFFF  }
0x9a: {  	s20 =	sld [smem:$0x3FDB];
	_ =	sdelay $0x1  }
0x9b: {  	s6 =	simm.s32 $_scs_section_size  }
0x9c: {  	s7 =	simm.s32 $_size__tile_overlayer_lowered;
	s8 =	simm.s32 $_tile_overlayer_lowered  }
0x9d: {  	s23 =	simm.s32 $0x1BFF;
	s22 =	sshll.u32 s8, $0x1;
	s5 =	sadd.s32 s6, s20  }
0x9e: {  	s9 =	simm.s32 $0x0;
	s21 =	sshll.u32 s7, $0x1;
	s7 =	sadd.s32 s22, s5  }
0x9f: {  	[timem:s9], [sflag:s23] =	dma.local [hbm:s7], s21  }
0xa0: {  	_ =	swait.ge [sflag:s23], s21  }
0xa1: {  	s6 =	ssub.s32 $0x0, s21;
	[sflag:s23] =	ssyncset.done $0x0  }
0xa2: {  	[sflag:s23] =	ssyncadd.s32 s6;
	_ =	sdelay $0x1  }
0xa3: {  	s24 =	simm.s32 $0x1B8B  }
0xa4: {  	_ =	swait.ge [sflag:s24], $0x1  }
0xa5: {  	[sflag:s24] =	ssyncset.done $0x0  }
0xa6: {  	s25 =	simm.s32 $0x1B8E;
	[sflag:s24] =	ssyncadd.s32 $0xFFFFFFFF  }
0xa7: {  	s26 =	simm.s32 $execute0_lowered;
	[smem:$0x3FD2] =	sst s25  }
0xa8: {  	s6 =	sshll.u32 s26, $0x1;
	_ =	strace $0x80000046;
	[dreg:$0x1] =	wrdreg $0xFFFFFFFF  }
0xa9: {  	s28 =	simm.s32 $_size_execute0_lowered;
	s5 =	sadd.s32 s5, s6;
	[dreg:$0x0] =	wrdreg $0x0  }
0xaa: {  	s6 =	sshll.u32 s28, $0x1;
	[dreg:$0x2] =	wrdreg s5  }
0xab: {  	[dreg:$0x3] =	wrdreg s6  }
0xac: {  	[dreg:$0x4] =	wrdreg $0xC0  }
0xad: {  	_ =	task [dreg:s9], $0x5FFFF  }
0xae: {  	[dreg:$0x1] =	wrdreg $0xFFFFFFFF  }
0xaf: {  	[dreg:$0x0] =	wrdreg $0x60  }
0xb0: {  	[dreg:$0x2] =	wrdreg s2  }
0xb1: {  	[dreg:$0x3] =	wrdreg s19  }
0xb2: {  	[dreg:$0x4] =	wrdreg s4  }
0xb3: {  	[dreg:$0x5] =	wrdreg $0x9  }
0xb4: {  	_ =	task.clear_ibuf [dreg:s9], $0x6FFFF;
	_ =	strace $0x90000046  }
0xb5: {  	s29 =	simm.s32 $0x9;
	_ =	strace $0x80000048  }
0xb6: {  	_ =	swait.ge [sflag:s29], $0x1  }
0xb7: {  	[sflag:s29] =	ssyncadd.s32 $0xFFFFFFFF  }
0xb8: {  	_ =	strace $0x90000048  }
0xb9: {  	_ =	sfence  }
0xba: {  	s30 =	sld [smem:$0x0];
	_ =	sdelay $0x2  }
0xbb: {  	s31 =	sshll.u32 s1, $0xD;
	s1 =	sshrl.u32 s1, $0x2  }
0xbc: {  	s3 =	sand.u32 $0x4000, s31;
	s1 =	sadd.s32 s1, s30  }
0xbd: {  	s0 =	sor.u32 s3, s0;
	s1 =	sshll.u32 s1, $0x11  }
0xbe: {  	s0 =	sor.u32 s1, s0  }
0xbf: {  	s0 =	sadd.s32 $0x8F2B, s0  }
0xc0: {  	[sflag:s0] =	ssyncadd.remote.s32 $0x1  }
0xc1: {  	_ =	sfence.sel $0xFFFF  }
0xc2: {  	[dreg:$0x0] =	wrdreg $0xFFFFFFFF;
	(pc) =	sbr.abs _section_cstart, $3  }
0xc3: {  	[dreg:$0x1] =	wrdreg $0xFFFFFFFF  }
0xc4: {  	_ =	task.clear_ibuf [dreg:s9], $0x2FFFF;
	_ =	strace $0x9FFFFFFF  }
0xc5: {  	(tm) =	ssettm $0x7FFFFFFF  }
tec
execute0_lowered:
.L_overlay_start_1:
0x0: {  	(tag) =	ssettag $0x1  }
0x1: {  	s1 =	rddreg [dreg:$0x0]  }
0x2: {  	s2 =	rddreg [dreg:$0x1]  }
0x3: {  	s0 =	srdreg.scid;
	s3 =	rddreg [dreg:$0x2]  }
0x4: {  	s5 =	simm.s32 $0x0;
	s7 =	stileid.u32;
	s8 =	simm.s32 $0x10000  }
0x5: {  	s9 =	simm.s32 $0x1;
	s10 =	simm.s32 $0x4000;
	s0 =	sand.u32 $0x1, s0  }
0x6: {  	s11 =	simm.s32 $0x8000;
	s12 =	simm.s32 $0xC000;
	s4 =	ssub.s32 $0x2, s0  }
0x7: {  	s13 =	simm.s32 $0x0;
	[smem:$0x7FF] =	sst s5;
	s6 =	sshrl.u32 s4, $0x1  }
0x8: {  	s31 =	sshll.u32 s7, $0x10;
	s0 =	sshll.u32 s0, $0xF;
	s4 =	ssub.s32 s4, s6  }
0x9: {  	_ =	strace $0x80000047;
	s6 =	sor.u32 s0, s31;
	s7 =	smax.u32 s4, $0x1  }
.LBB2_1:
0xa: {  	s14 =	simm.s32 $0x0  }
.LBB2_2:
0xb: {  	s0 =	sshll.u32 s14, $0xB  }
0xc: {  	s15 =	sadd.s32 s6, s0  }
0xd: {  	s16 =	simm.s32 $0x0;
	s0 =	sadd.s32 s2, s15  }
0xe: {  	[tilespmem:s8], [sflag:$0x1] =	stream.linear.gather [hbm4b:s0+s16], $0x4000, $0x38;
	[tilespmem:$0x14000] =	vst v63  }
0xf: {  	_ =	swait.ge [sflag:s9], $0x4000  }
0x10: {  	[sflag:s9] =	ssyncset.done $0x0  }
0x11: {  	s28 =	sadd.s32 s1, s15;
	[sflag:s9] =	ssyncadd.s32 $0xFFFFC000  }
0x12: {  	[tilespmem:s16], [sflag:$0x1] =	stream.linear.gather [hbm4b:s28+s16], $0x4000, $0x38;
	[tilespmem:$0x14000] =	vst v63  }
0x13: {  	_ =	swait.ge [sflag:s9], $0x4000  }
0x14: {  	s17 =	sor.u32 $0x100000, s15;
	[sflag:s9] =	ssyncset.done $0x0  }
0x15: {  	s29 =	sadd.s32 s1, s17;
	[sflag:s9] =	ssyncadd.s32 $0xFFFFC000  }
0x16: {  	[tilespmem:s10], [sflag:$0x1] =	stream.linear.gather [hbm4b:s29+s16], $0x4000, $0x38;
	[tilespmem:$0x14000] =	vst v63  }
0x17: {  	_ =	swait.ge [sflag:s9], $0x4000  }
0x18: {  	s18 =	sor.u32 $0x200000, s15;
	[sflag:s9] =	ssyncset.done $0x0  }
0x19: {  	s30 =	sadd.s32 s1, s18;
	[sflag:s9] =	ssyncadd.s32 $0xFFFFC000  }
0x1a: {  	[tilespmem:s11], [sflag:$0x1] =	stream.linear.gather [hbm4b:s30+s16], $0x4000, $0x38;
	[tilespmem:$0x14000] =	vst v63  }
0x1b: {  	_ =	swait.ge [sflag:s9], $0x4000  }
0x1c: {  	s19 =	sor.u32 $0x300000, s15;
	[sflag:s9] =	ssyncset.done $0x0  }
0x1d: {  	s31 =	sadd.s32 s1, s19;
	[sflag:s9] =	ssyncadd.s32 $0xFFFFC000  }
0x1e: {  	[tilespmem:s12], [sflag:$0x1] =	stream.linear.gather [hbm4b:s31+s16], $0x4000, $0x38;
	[tilespmem:$0x14000] =	vst v63  }
0x1f: {  	_ =	swait.ge [sflag:s9], $0x4000  }
0x20: {  	[sflag:s9] =	ssyncset.done $0x0  }
0x21: {  	s20 =	simm.s32 $0x0;
	s21 =	simm.s32 $0x0;
	[sflag:s9] =	ssyncadd.s32 $0xFFFFC000  }
.LBB2_3:
0x22: {  	s0 =	sand.u32 $0x7, s20  }
0x23: {  	s0 =	sshll.u32 s0, $0x9  }
0x24: {  	s22 =	sshrl.u32 s0, $0x2  }
0x25: {  	v0 =	vmov s22;
	_ =	sdelay $0x2  }
0x26: {  	s23 =	sand.u32 $0x3FFFE000, s16  }
0x27: {  	s31 =	sadd.s32 $0x10000, s23  }
0x28: {  	v1 =	vld.idx.msk [tilespmem:v0+s31+$0x70 ss:$0x1], $0xffff  }
0x29: {  	v2 =	vld.idx.msk [tilespmem:v0+s31+$0x10 ss:$0x1], $0xffff  }
0x2a: {  	v3 =	vld.idx.msk [tilespmem:v0+s31+$0x20 ss:$0x1], $0xffff  }
0x2b: {  	v4 =	vld.idx.msk [tilespmem:v0+s31+$0x30 ss:$0x1], $0xffff  }
0x2c: {  	v5 =	vld.idx.msk [tilespmem:v0+s31+$0x40 ss:$0x1], $0xffff  }
0x2d: {  	v7 =	vld.idx.msk [tilespmem:v0+s31+$0x0 ss:$0x1], $0xffff  }
0x2e: {  	s4 =	sadd.s32 s22, s23;
	v6 =	vld.idx.msk [tilespmem:v0+s31+$0x50 ss:$0x1], $0xffff  }
0x2f: {  	[tilespmem:s4+$0x70] =	vst.add.f32.msk $0xffff, v1  }
0x30: {  	[tilespmem:s4+$0x10] =	vst.add.f32.msk $0xffff, v2  }
0x31: {  	[tilespmem:s4+$0x20] =	vst.add.f32.msk $0xffff, v3  }
0x32: {  	[tilespmem:s4+$0x0] =	vst.add.f32.msk $0xffff, v7  }
0x33: {  	[tilespmem:s4+$0x30] =	vst.add.f32.msk $0xffff, v4  }
0x34: {  	s24 =	sadd.s32 $0x4000, s23;
	[tilespmem:s4+$0x40] =	vst.add.f32.msk $0xffff, v5  }
0x35: {  	s28 =	sadd.s32 s22, s24;
	[tilespmem:s4+$0x50] =	vst.add.f32.msk $0xffff, v6  }
0x36: {  	[tilespmem:s28+$0x70] =	vst.add.f32.msk $0xffff, v1  }
0x37: {  	[tilespmem:s28+$0x10] =	vst.add.f32.msk $0xffff, v2  }
0x38: {  	[tilespmem:s28+$0x0] =	vst.add.f32.msk $0xffff, v7  }
0x39: {  	[tilespmem:s28+$0x20] =	vst.add.f32.msk $0xffff, v3  }
0x3a: {  	[tilespmem:s28+$0x30] =	vst.add.f32.msk $0xffff, v4  }
0x3b: {  	s25 =	sadd.s32 $0x8000, s23;
	[tilespmem:s28+$0x40] =	vst.add.f32.msk $0xffff, v5  }
0x3c: {  	s29 =	sadd.s32 s22, s25;
	[tilespmem:s28+$0x50] =	vst.add.f32.msk $0xffff, v6  }
0x3d: {  	[tilespmem:s29+$0x70] =	vst.add.f32.msk $0xffff, v1  }
0x3e: {  	[tilespmem:s29+$0x10] =	vst.add.f32.msk $0xffff, v2  }
0x3f: {  	[tilespmem:s29+$0x0] =	vst.add.f32.msk $0xffff, v7  }
0x40: {  	[tilespmem:s29+$0x20] =	vst.add.f32.msk $0xffff, v3  }
0x41: {  	[tilespmem:s29+$0x30] =	vst.add.f32.msk $0xffff, v4  }
0x42: {  	s26 =	sadd.s32 $0xC000, s23;
	[tilespmem:s29+$0x40] =	vst.add.f32.msk $0xffff, v5  }
0x43: {  	s30 =	sadd.s32 s22, s26;
	[tilespmem:s29+$0x50] =	vst.add.f32.msk $0xffff, v6  }
0x44: {  	[tilespmem:s30+$0x70] =	vst.add.f32.msk $0xffff, v1  }
0x45: {  	v1 =	vld.idx.msk [tilespmem:v0+s31+$0x60 ss:$0x1], $0xffff  }
0x46: {  	[tilespmem:s30+$0x10] =	vst.add.f32.msk $0xffff, v2  }
0x47: {  	[tilespmem:s30+$0x0] =	vst.add.f32.msk $0xffff, v7  }
0x48: {  	[tilespmem:s30+$0x20] =	vst.add.f32.msk $0xffff, v3  }
0x49: {  	[tilespmem:s30+$0x30] =	vst.add.f32.msk $0xffff, v4  }
0x4a: {  	[tilespmem:s30+$0x40] =	vst.add.f32.msk $0xffff, v5  }
0x4b: {  	[tilespmem:s30+$0x50] =	vst.add.f32.msk $0xffff, v6  }
0x4c: {  	[tilespmem:s4+$0x60] =	vst.add.f32.msk $0xffff, v1  }
0x4d: {  	[tilespmem:s28+$0x60] =	vst.add.f32.msk $0xffff, v1  }
0x4e: {  	[tilespmem:s29+$0x60] =	vst.add.f32.msk $0xffff, v1  }
0x4f: {  	s28 =	simm.s32 $0x0;
	s29 =	sadd.s32 $0x400, s31;
	[tilespmem:s30+$0x60] =	vst.add.f32.msk $0xffff, v1  }
.LBB2_4:
0x50: {  	v1 =	vld.idx.msk [tilespmem:v0+s29+$0x70 ss:$0x1], $0xffff  }
0x51: {  	v2 =	vld.idx.msk [tilespmem:v0+s29+$0x10 ss:$0x1], $0xffff  }
0x52: {  	v3 =	vld.idx.msk [tilespmem:v0+s29+$0x20 ss:$0x1], $0xffff  }
0x53: {  	s28 =	sadd.s32 $0x80, s28;
	v4 =	vld.idx.msk [tilespmem:v0+s29+$0x30 ss:$0x1], $0xffff  }
0x54: {  	s23 =	sadd.s32 $0x400, s23;
	p0 =	slt.u32 s28, $0x380;
	v5 =	vld.idx.msk [tilespmem:v0+s29+$0x40 ss:$0x1], $0xffff  }
0x55: {  	s24 =	sadd.s32 $0x400, s24;
	s30 =	sadd.s32 s22, s23;
	v6 =	vld.idx.msk [tilespmem:v0+s29+$0x50 ss:$0x1], $0xffff  }
0x56: {  	s25 =	sadd.s32 $0x400, s25;
	s31 =	sadd.s32 s22, s24;
	[tilespmem:s30+$0x70] =	vst.add.f32.msk $0xffff, v1  }
0x57: {  	s26 =	sadd.s32 $0x400, s26;
	s0 =	sadd.s32 s22, s25;
	[tilespmem:s31+$0x70] =	vst.add.f32.msk $0xffff, v1  }
0x58: {  	s4 =	sadd.s32 s22, s26;
	[tilespmem:s0+$0x70] =	vst.add.f32.msk $0xffff, v1  }
0x59: {  	[tilespmem:s4+$0x70] =	vst.add.f32.msk $0xffff, v1  }
0x5a: {  	v1 =	vld.idx.msk [tilespmem:v0+s29+$0x60 ss:$0x1], $0xffff  }
0x5b: {  	v7 =	vld.idx.msk [tilespmem:v0+s29+$0x0 ss:$0x1], $0xffff  }
0x5c: {  	[tilespmem:s30+$0x10] =	vst.add.f32.msk $0xffff, v2  }
0x5d: {  	[tilespmem:s31+$0x10] =	vst.add.f32.msk $0xffff, v2  }
0x5e: {  	[tilespmem:s0+$0x10] =	vst.add.f32.msk $0xffff, v2  }
0x5f: {  	[tilespmem:s4+$0x10] =	vst.add.f32.msk $0xffff, v2  }
0x60: {  	[tilespmem:s30+$0x20] =	vst.add.f32.msk $0xffff, v3  }
0x61: {  	[tilespmem:s30+$0x0] =	vst.add.f32.msk $0xffff, v7  }
0x62: {  	[tilespmem:s31+$0x0] =	vst.add.f32.msk $0xffff, v7  }
0x63: {  	[tilespmem:s0+$0x0] =	vst.add.f32.msk $0xffff, v7  }
0x64: {  	[tilespmem:s4+$0x0] =	vst.add.f32.msk $0xffff, v7  }
0x65: {  	[tilespmem:s31+$0x20] =	vst.add.f32.msk $0xffff, v3  }
0x66: {  	[tilespmem:s0+$0x20] =	vst.add.f32.msk $0xffff, v3  }
0x67: {  	[tilespmem:s4+$0x20] =	vst.add.f32.msk $0xffff, v3  }
0x68: {  	[tilespmem:s30+$0x30] =	vst.add.f32.msk $0xffff, v4  }
0x69: {  	[tilespmem:s31+$0x30] =	vst.add.f32.msk $0xffff, v4  }
0x6a: {  	[tilespmem:s0+$0x30] =	vst.add.f32.msk $0xffff, v4  }
0x6b: {  	[tilespmem:s4+$0x30] =	vst.add.f32.msk $0xffff, v4  }
0x6c: {  	[tilespmem:s30+$0x40] =	vst.add.f32.msk $0xffff, v5  }
0x6d: {  	[tilespmem:s31+$0x40] =	vst.add.f32.msk $0xffff, v5  }
0x6e: {  	[tilespmem:s0+$0x40] =	vst.add.f32.msk $0xffff, v5  }
0x6f: {  	[tilespmem:s4+$0x40] =	vst.add.f32.msk $0xffff, v5  }
0x70: {  	[tilespmem:s30+$0x50] =	vst.add.f32.msk $0xffff, v6  }
0x71: {  	[tilespmem:s31+$0x50] =	vst.add.f32.msk $0xffff, v6  }
0x72: {  	[tilespmem:s0+$0x50] =	vst.add.f32.msk $0xffff, v6  }
.Ltmp0:
0x73: {  	[tilespmem:s4+$0x50] =	vst.add.f32.msk $0xffff, v6;
	(pc) =	sbr.rel @p0 .LBB2_4-.Ltmp0, $4  }
0x74: {  	[tilespmem:s30+$0x60] =	vst.add.f32.msk $0xffff, v1  }
0x75: {  	[tilespmem:s31+$0x60] =	vst.add.f32.msk $0xffff, v1  }
0x76: {  	[tilespmem:s0+$0x60] =	vst.add.f32.msk $0xffff, v1  }
0x77: {  	s29 =	sadd.s32 $0x400, s29;
	[tilespmem:s4+$0x60] =	vst.add.f32.msk $0xffff, v1  }
0x78: {  	s21 =	sadd.s32 $0x1, s21  }
0x79: {  	p0 =	sne.s32 s21, $0x10  }
.Ltmp1:
0x7a: {  	_ = 	snop;
	(pc) =	sbr.rel @p0 .LBB2_3-.Ltmp1, $2  }
0x7b: {  	_ =	sdelay $0x2  }
0x7c: {  	s20 =	sadd.s32 $0x1, s20;
	s16 =	sadd.s32 $0x400, s16  }
0x7d: {  	s0 =	sadd.s32 s3, s15  }
0x7e: {  	[hbm4b:s0+s5] =	stream.linear.scatter [tilespmem:s5], [sflag:$0x1], $0x4000, $0x38;
	[tilespmem:$0x14000] =	vst v63  }
0x7f: {  	_ =	swait.ge [sflag:s9], $0x4000  }
0x80: {  	[sflag:s9] =	ssyncset.done $0x0  }
0x81: {  	s29 =	sadd.s32 s3, s17;
	[sflag:s9] =	ssyncadd.s32 $0xFFFFC000  }
0x82: {  	[hbm4b:s29+s5] =	stream.linear.scatter [tilespmem:s10], [sflag:$0x1], $0x4000, $0x38;
	[tilespmem:$0x14000] =	vst v63  }
0x83: {  	_ =	swait.ge [sflag:s9], $0x4000  }
0x84: {  	[sflag:s9] =	ssyncset.done $0x0  }
0x85: {  	s30 =	sadd.s32 s3, s18;
	[sflag:s9] =	ssyncadd.s32 $0xFFFFC000  }
0x86: {  	[hbm4b:s30+s5] =	stream.linear.scatter [tilespmem:s11], [sflag:$0x1], $0x4000, $0x38;
	[tilespmem:$0x14000] =	vst v63  }
0x87: {  	s14 =	sadd.s32 $0x1, s14;
	_ =	swait.ge [sflag:s9], $0x4000  }
0x88: {  	p0 =	sne.s32 s14, $0x10;
	[sflag:s9] =	ssyncset.done $0x0  }
.Ltmp2:
0x89: {  	s31 =	sadd.s32 s3, s19;
	[sflag:s9] =	ssyncadd.s32 $0xFFFFC000;
	(pc) =	sbr.rel @p0 .LBB2_2-.Ltmp2, $4  }
0x8a: {  	[hbm4b:s31+s5] =	stream.linear.scatter [tilespmem:s12], [sflag:$0x1], $0x4000, $0x38;
	[tilespmem:$0x14000] =	vst v63  }
0x8b: {  	_ =	swait.ge [sflag:s9], $0x4000  }
0x8c: {  	[sflag:s9] =	ssyncset.done $0x0  }
0x8d: {  	[sflag:s9] =	ssyncadd.s32 $0xFFFFC000  }
0x8e: {  	s13 =	sadd.s32 $0x1, s13  }
0x8f: {  	p0 =	sne.s32 s13, s7  }
.Ltmp3:
0x90: {  	_ = 	snop;
	(pc) =	sbr.rel @p0 .LBB2_1-.Ltmp3, $1  }
0x91: {  	_ =	sdelay $0x3  }
0x92: {  	_ =	sfence.sel $0x180000  }
0x93: {  	[bflag:$0x0] =	sbarrier.arrive $0xFFFF  }
0x94: {  	_ =	strace $0x90000047  }
0x95: {  	s0 =	stileid.u32;
	[bflag:$0x2] =	sbarrier.arrive $0xFFFF  }
0x96: {  	p0 =	sne.s32 s0, $0x0;
	s0 =	rddreg [dreg:$0x3]  }
0x97: {  	s0 =	sadd.s32 @!p0 $0x100000, s0  }
0x98: {  	[sflag:s0] =	ssyncadd.tile.s32 @!p0 $0x1;
	_ =	shalt  }
.Lfunc_end2:
_tile_overlayer_lowered:
.L_overlay_start_2:
0x99: {  	(tag) =	ssettag $0x2  }
0x9a: {  	s0 =	rddreg [dreg:$0x0];
	s2 =	stileid.u32  }
0x9b: {  	s1 =	rddreg [dreg:$0x1];
	p0 =	sne.s32 s2, $0x0  }
0x9c: {  	s3 =	rddreg [dreg:$0x2];
	[bflag:$0x3] =	sbarrier.arrive $0xFFFF;
	s2 =	simm.s32 @!p0 $0x1C01  }
0x9d: {  	[timem:s3], [sflag:s2] =	dma.local @!p0 [hbm:s0], s1  }
0x9e: {  	s0 =	simm.s32 @!p0 $0x1  }
0x9f: {  	_ =	swait.ge @!p0 [sflag:s0], s1  }
0xa0: {  	s1 =	ssub.s32 @!p0 $0x0, s1;
	[sflag:s0] =	ssyncset.done @!p0 $0x0  }
0xa1: {  	[sflag:s0] =	ssyncadd.s32 @!p0 s1  }
0xa2: {  	[bflag:$0x3] =	sbarrier.arrive $0xFFFF  }
0xa3: {  	_ =	shalt  }

</sc_bundles>
